<compile_context>
chip_gen: v7x
topology: tpu7x:2x2x1
jax: 0.10.2.dev20260603
libtpu: 0.0.44.dev20260713+nightly
codegen_flags: <defaults>
</compile_context>

<pallas_src>
import functools

import numpy as np
import jax
import jax.numpy as jnp
from jax import lax
from jax.experimental import pallas as pl
from jax.experimental.pallas import tpu as pltpu
from jax.experimental.pallas import tpu_sc as plsc

_N = 70
_NX = _N * (_N + 1) // 2
_OUT = _N * _N

_info = plsc.get_sparse_core_info()
_NC, _NS, _L = _info.num_cores, _info.num_subcores, _info.num_lanes
_NC = 1
_NW = _NC * _NS
_CHUNK = 320
_NV = _CHUNK // 16
_LAST = _NW - 1
_TAIL = _OUT - _LAST * _CHUNK


_C_HALF = float(np.sqrt(np.float32(0.5)))
_PAD = _NW * _CHUNK


def _build_table():
    i = np.arange(_N)[:, None]
    j = np.arange(_N)[None, :]
    r = np.maximum(i, j)
    c = np.minimum(i, j)
    idx = np.zeros((_PAD,), np.int32)
    scl = np.zeros((_PAD,), np.float32)
    idx[:_OUT] = (r * (r + 1) // 2 + c).astype(np.int32).reshape(-1)
    scl[:_OUT] = np.where(i == j, 1.0, _C_HALF).astype(np.float32).reshape(-1)
    tbl = np.empty((_NW, 2 * _CHUNK), np.int32)
    tbl[:, :_CHUNK] = idx.reshape(_NW, _CHUNK)
    tbl[:, _CHUNK:] = scl.reshape(_NW, _CHUNK).view(np.int32)
    return tbl.reshape(-1)


_TBL = _build_table()


@functools.partial(
    pl.kernel,
    mesh=plsc.VectorSubcoreMesh(core_axis_name="c", subcore_axis_name="s",
                                num_cores=_NC),
    out_type=jax.ShapeDtypeStruct((_OUT,), jnp.float32),
    scratch_types=[
        pltpu.VMEM((_NX,), jnp.float32),
        pltpu.VMEM((_CHUNK,), jnp.float32),
        pltpu.VMEM((2 * _CHUNK,), jnp.int32),
        pltpu.SemaphoreType.DMA,
        pltpu.SemaphoreType.DMA,
    ],
    compiler_params=pltpu.CompilerParams(needs_layout_passes=False),
)
def _smat_sc(x_hbm, tbl_hbm, out_hbm, x_v, o_v, tbl_v, sem1, sem2):
    wid = lax.axis_index("s") * _NC + lax.axis_index("c")
    base = wid * _CHUNK
    cp1 = pltpu.async_copy(x_hbm, x_v, sem1)
    cp2 = pltpu.async_copy(tbl_hbm.at[pl.ds(wid * 2 * _CHUNK, 2 * _CHUNK)],
                           tbl_v, sem2)
    cp1.wait()
    cp2.wait()
    for v in range(_NV):
        sl = pl.ds(v * 16, 16)
        vals = plsc.load_gather(x_v, [tbl_v[sl]])
        scl = plsc.bitcast(tbl_v[pl.ds(_CHUNK + v * 16, 16)], jnp.float32)
        o_v[sl] = vals * scl

    @pl.when(wid < _LAST)
    def _full():
        pltpu.sync_copy(o_v, out_hbm.at[pl.ds(base, _CHUNK)])

    @pl.when(wid == _LAST)
    def _tail():
        pltpu.sync_copy(o_v.at[pl.ds(0, _TAIL)],
                        out_hbm.at[pl.ds(_LAST * _CHUNK, _TAIL)])


def kernel(x):
    return _smat_sc(x, _TBL).reshape(_N, _N)

# --- scband reference (transcript-rebuilt; emitter-appended) ---
"""Pipeline reference for scband-smat-43868795961573 (READ-ONLY COPY).

The authoritative reference and input builder live on the scoring server;
editing this copy changes nothing except your own understanding.
"""

import jax, jax.numpy as jnp
import numpy as np


def setup_inputs(seed: int = 0) -> dict:
    key = jax.random.key(seed)
    x = jax.random.normal(key, (2485,), dtype=jnp.float32)
    return {"x": x}


def reference(x):
    n = 70
    x1 = x.reshape(-1)
    # torch: select[i, :i+1] = 1 -> lower-triangular mask; X[select] = x1 fills in
    # row-major order over True positions, which matches tril_indices ordering.
    rows, cols = jnp.tril_indices(n)
    X = jnp.zeros((n, n), dtype=x.dtype).at[rows, cols].set(x1)
    c_half = jnp.sqrt(jnp.asarray(0.5, dtype=x.dtype))
    c_diag = jnp.sqrt(jnp.asarray(2.0, dtype=x.dtype)) - jnp.asarray(1.0, dtype=x.dtype)
    X = c_half * (X + X.T) - c_diag * X * jnp.eye(n, dtype=x.dtype)
    return X

if __name__ == "__main__":
    import jax
    _d = setup_inputs()
    print(jax.jit(kernel)(*tuple(_d.values())))

</pallas_src>

<mosaic_0001>
#map = affine_map<(d0, d1) -> (0)>
module attributes {stable_mosaic.version = 14 : i64} {
  func.func @_smat_sc(%arg0: i32, %arg1: i32, %arg2: memref<2485xf32, #tpu.memory_space<hbm>>, %arg3: memref<10240xi32, #tpu.memory_space<hbm>>, %arg4: memref<4900xf32, #tpu.memory_space<hbm>>, %arg5: memref<2485xf32, #tpu.memory_space<vmem>>, %arg6: memref<320xf32, #tpu.memory_space<vmem>>, %arg7: memref<640xi32, #tpu.memory_space<vmem>>, %arg8: memref<!tpu.dma_semaphore, #tpu.memory_space<semaphore_mem>>, %arg9: memref<!tpu.dma_semaphore, #tpu.memory_space<semaphore_mem>>) attributes {dimension_semantics = [#tpu.dimension_semantics<core_parallel>, #tpu.dimension_semantics<subcore_parallel>], iteration_bounds = array<i64: 1, 16>, scalar_prefetch = 0 : i64, scratch_operands = 5 : i64, tpu.core_type = #tpu.core_type<sc_vector_subcore>, window_params = [{transform_indices = #map}, {transform_indices = #map}, {transform_indices = #map}]} {
    %mul3A = arith.constant 1 : i32
    %mul3A_0 = arith.muli %arg1, %mul3A : i32
    %add3A = arith.addi %mul3A_0, %arg0 : i32
    %mul3A_1 = arith.constant 320 : i32
    %mul3A_2 = arith.muli %add3A, %mul3A_1 : i32
    tpu.enqueue_dma source(%arg2 : memref<2485xf32, #tpu.memory_space<hbm>>) target(%arg5 : memref<2485xf32, #tpu.memory_space<vmem>>) target_semaphore(%arg8 : memref<!tpu.dma_semaphore, #tpu.memory_space<semaphore_mem>>)
    %mul3A_3 = arith.constant 2 : i32
    %mul3A_4 = arith.muli %add3A, %mul3A_3 : i32
    %mul3A_5 = arith.constant 320 : i32
    %mul3A_6 = arith.muli %mul3A_4, %mul3A_5 : i32
    %dma_start3A = tpu.memref_slice %arg3[%mul3A_6] : memref<10240xi32, #tpu.memory_space<hbm>> -> memref<640xi32, #tpu.memory_space<hbm>>
    %dma_start3A_7 = tpu.memref_slice %arg3[%mul3A_6] : memref<10240xi32, #tpu.memory_space<hbm>> -> memref<640xi32, #tpu.memory_space<hbm>>
    tpu.enqueue_dma source(%dma_start3A_7 : memref<640xi32, #tpu.memory_space<hbm>>) target(%arg7 : memref<640xi32, #tpu.memory_space<vmem>>) target_semaphore(%arg9 : memref<!tpu.dma_semaphore, #tpu.memory_space<semaphore_mem>>)
    tpu.wait_dma2 semaphore(%arg8 : memref<!tpu.dma_semaphore, #tpu.memory_space<semaphore_mem>>) src(%arg2 : memref<2485xf32, #tpu.memory_space<hbm>>) dst(%arg5 : memref<2485xf32, #tpu.memory_space<vmem>>)
    %dma_wait3A = tpu.memref_slice %arg3[%mul3A_6] : memref<10240xi32, #tpu.memory_space<hbm>> -> memref<640xi32, #tpu.memory_space<hbm>>
    %dma_wait3A_8 = tpu.memref_slice %arg3[%mul3A_6] : memref<10240xi32, #tpu.memory_space<hbm>> -> memref<640xi32, #tpu.memory_space<hbm>>
    tpu.wait_dma2 semaphore(%arg9 : memref<!tpu.dma_semaphore, #tpu.memory_space<semaphore_mem>>) src(%dma_wait3A_8 : memref<640xi32, #tpu.memory_space<hbm>>) dst(%arg7 : memref<640xi32, #tpu.memory_space<vmem>>)
    %get3A = arith.constant 0 : index
    %get3A_9 = tpu.vector_load %arg7[%get3A] {strides = array<i32>} : memref<640xi32, #tpu.memory_space<vmem>>, vector<16xi32>,
    %gather3A = tpu.vector_load_idx %arg5[%get3A_9] : memref<2485xf32, #tpu.memory_space<vmem>>[vector<16xi32>], vector<16xf32>,
    %get3A_10 = arith.constant 320 : index
    %get3A_11 = tpu.vector_load %arg7[%get3A_10] {strides = array<i32>} : memref<640xi32, #tpu.memory_space<vmem>>, vector<16xi32>,
    %bitcast3A = vector.bitcast %get3A_11 : vector<16xi32> to vector<16xf32>
    %mul3A_12 = arith.mulf %gather3A, %bitcast3A : vector<16xf32>
    %swap3A = arith.constant 0 : index
    %swap3A_13 = tpu.vector_load %arg6[%swap3A] {strides = array<i32>} : memref<320xf32, #tpu.memory_space<vmem>>, vector<16xf32>,
    tpu.vector_store %arg6[%swap3A], %mul3A_12 {strides = array<i32>} : memref<320xf32, #tpu.memory_space<vmem>>, vector<16xf32>,
    %get3A_14 = arith.constant 16 : index
    %get3A_15 = tpu.vector_load %arg7[%get3A_14] {strides = array<i32>} : memref<640xi32, #tpu.memory_space<vmem>>, vector<16xi32>,
    %gather3A_16 = tpu.vector_load_idx %arg5[%get3A_15] : memref<2485xf32, #tpu.memory_space<vmem>>[vector<16xi32>], vector<16xf32>,
    %get3A_17 = arith.constant 336 : index
    %get3A_18 = tpu.vector_load %arg7[%get3A_17] {strides = array<i32>} : memref<640xi32, #tpu.memory_space<vmem>>, vector<16xi32>,
    %bitcast3A_19 = vector.bitcast %get3A_18 : vector<16xi32> to vector<16xf32>
    %mul3A_20 = arith.mulf %gather3A_16, %bitcast3A_19 : vector<16xf32>
    %swap3A_21 = arith.constant 16 : index
    %swap3A_22 = tpu.vector_load %arg6[%swap3A_21] {strides = array<i32>} : memref<320xf32, #tpu.memory_space<vmem>>, vector<16xf32>,
    tpu.vector_store %arg6[%swap3A_21], %mul3A_20 {strides = array<i32>} : memref<320xf32, #tpu.memory_space<vmem>>, vector<16xf32>,
    %get3A_23 = arith.constant 32 : index
    %get3A_24 = tpu.vector_load %arg7[%get3A_23] {strides = array<i32>} : memref<640xi32, #tpu.memory_space<vmem>>, vector<16xi32>,
    %gather3A_25 = tpu.vector_load_idx %arg5[%get3A_24] : memref<2485xf32, #tpu.memory_space<vmem>>[vector<16xi32>], vector<16xf32>,
    %get3A_26 = arith.constant 352 : index
    %get3A_27 = tpu.vector_load %arg7[%get3A_26] {strides = array<i32>} : memref<640xi32, #tpu.memory_space<vmem>>, vector<16xi32>,
    %bitcast3A_28 = vector.bitcast %get3A_27 : vector<16xi32> to vector<16xf32>
    %mul3A_29 = arith.mulf %gather3A_25, %bitcast3A_28 : vector<16xf32>
    %swap3A_30 = arith.constant 32 : index
    %swap3A_31 = tpu.vector_load %arg6[%swap3A_30] {strides = array<i32>} : memref<320xf32, #tpu.memory_space<vmem>>, vector<16xf32>,
    tpu.vector_store %arg6[%swap3A_30], %mul3A_29 {strides = array<i32>} : memref<320xf32, #tpu.memory_space<vmem>>, vector<16xf32>,
    %get3A_32 = arith.constant 48 : index
    %get3A_33 = tpu.vector_load %arg7[%get3A_32] {strides = array<i32>} : memref<640xi32, #tpu.memory_space<vmem>>, vector<16xi32>,
    %gather3A_34 = tpu.vector_load_idx %arg5[%get3A_33] : memref<2485xf32, #tpu.memory_space<vmem>>[vector<16xi32>], vector<16xf32>,
    %get3A_35 = arith.constant 368 : index
    %get3A_36 = tpu.vector_load %arg7[%get3A_35] {strides = array<i32>} : memref<640xi32, #tpu.memory_space<vmem>>, vector<16xi32>,
    %bitcast3A_37 = vector.bitcast %get3A_36 : vector<16xi32> to vector<16xf32>
    %mul3A_38 = arith.mulf %gather3A_34, %bitcast3A_37 : vector<16xf32>
    %swap3A_39 = arith.constant 48 : index
    %swap3A_40 = tpu.vector_load %arg6[%swap3A_39] {strides = array<i32>} : memref<320xf32, #tpu.memory_space<vmem>>, vector<16xf32>,
    tpu.vector_store %arg6[%swap3A_39], %mul3A_38 {strides = array<i32>} : memref<320xf32, #tpu.memory_space<vmem>>, vector<16xf32>,
    %get3A_41 = arith.constant 64 : index
    %get3A_42 = tpu.vector_load %arg7[%get3A_41] {strides = array<i32>} : memref<640xi32, #tpu.memory_space<vmem>>, vector<16xi32>,
    %gather3A_43 = tpu.vector_load_idx %arg5[%get3A_42] : memref<2485xf32, #tpu.memory_space<vmem>>[vector<16xi32>], vector<16xf32>,
    %get3A_44 = arith.constant 384 : index
    %get3A_45 = tpu.vector_load %arg7[%get3A_44] {strides = array<i32>} : memref<640xi32, #tpu.memory_space<vmem>>, vector<16xi32>,
    %bitcast3A_46 = vector.bitcast %get3A_45 : vector<16xi32> to vector<16xf32>
    %mul3A_47 = arith.mulf %gather3A_43, %bitcast3A_46 : vector<16xf32>
    %swap3A_48 = arith.constant 64 : index
    %swap3A_49 = tpu.vector_load %arg6[%swap3A_48] {strides = array<i32>} : memref<320xf32, #tpu.memory_space<vmem>>, vector<16xf32>,
    tpu.vector_store %arg6[%swap3A_48], %mul3A_47 {strides = array<i32>} : memref<320xf32, #tpu.memory_space<vmem>>, vector<16xf32>,
    %get3A_50 = arith.constant 80 : index
    %get3A_51 = tpu.vector_load %arg7[%get3A_50] {strides = array<i32>} : memref<640xi32, #tpu.memory_space<vmem>>, vector<16xi32>,
    %gather3A_52 = tpu.vector_load_idx %arg5[%get3A_51] : memref<2485xf32, #tpu.memory_space<vmem>>[vector<16xi32>], vector<16xf32>,
    %get3A_53 = arith.constant 400 : index
    %get3A_54 = tpu.vector_load %arg7[%get3A_53] {strides = array<i32>} : memref<640xi32, #tpu.memory_space<vmem>>, vector<16xi32>,
    %bitcast3A_55 = vector.bitcast %get3A_54 : vector<16xi32> to vector<16xf32>
    %mul3A_56 = arith.mulf %gather3A_52, %bitcast3A_55 : vector<16xf32>
    %swap3A_57 = arith.constant 80 : index
    %swap3A_58 = tpu.vector_load %arg6[%swap3A_57] {strides = array<i32>} : memref<320xf32, #tpu.memory_space<vmem>>, vector<16xf32>,
    tpu.vector_store %arg6[%swap3A_57], %mul3A_56 {strides = array<i32>} : memref<320xf32, #tpu.memory_space<vmem>>, vector<16xf32>,
    %get3A_59 = arith.constant 96 : index
    %get3A_60 = tpu.vector_load %arg7[%get3A_59] {strides = array<i32>} : memref<640xi32, #tpu.memory_space<vmem>>, vector<16xi32>,
    %gather3A_61 = tpu.vector_load_idx %arg5[%get3A_60] : memref<2485xf32, #tpu.memory_space<vmem>>[vector<16xi32>], vector<16xf32>,
    %get3A_62 = arith.constant 416 : index
    %get3A_63 = tpu.vector_load %arg7[%get3A_62] {strides = array<i32>} : memref<640xi32, #tpu.memory_space<vmem>>, vector<16xi32>,
    %bitcast3A_64 = vector.bitcast %get3A_63 : vector<16xi32> to vector<16xf32>
    %mul3A_65 = arith.mulf %gather3A_61, %bitcast3A_64 : vector<16xf32>
    %swap3A_66 = arith.constant 96 : index
    %swap3A_67 = tpu.vector_load %arg6[%swap3A_66] {strides = array<i32>} : memref<320xf32, #tpu.memory_space<vmem>>, vector<16xf32>,
    tpu.vector_store %arg6[%swap3A_66], %mul3A_65 {strides = array<i32>} : memref<320xf32, #tpu.memory_space<vmem>>, vector<16xf32>,
    %get3A_68 = arith.constant 112 : index
    %get3A_69 = tpu.vector_load %arg7[%get3A_68] {strides = array<i32>} : memref<640xi32, #tpu.memory_space<vmem>>, vector<16xi32>,
    %gather3A_70 = tpu.vector_load_idx %arg5[%get3A_69] : memref<2485xf32, #tpu.memory_space<vmem>>[vector<16xi32>], vector<16xf32>,
    %get3A_71 = arith.constant 432 : index
    %get3A_72 = tpu.vector_load %arg7[%get3A_71] {strides = array<i32>} : memref<640xi32, #tpu.memory_space<vmem>>, vector<16xi32>,
    %bitcast3A_73 = vector.bitcast %get3A_72 : vector<16xi32> to vector<16xf32>
    %mul3A_74 = arith.mulf %gather3A_70, %bitcast3A_73 : vector<16xf32>
    %swap3A_75 = arith.constant 112 : index
    %swap3A_76 = tpu.vector_load %arg6[%swap3A_75] {strides = array<i32>} : memref<320xf32, #tpu.memory_space<vmem>>, vector<16xf32>,
    tpu.vector_store %arg6[%swap3A_75], %mul3A_74 {strides = array<i32>} : memref<320xf32, #tpu.memory_space<vmem>>, vector<16xf32>,
    %get3A_77 = arith.constant 128 : index
    %get3A_78 = tpu.vector_load %arg7[%get3A_77] {strides = array<i32>} : memref<640xi32, #tpu.memory_space<vmem>>, vector<16xi32>,
    %gather3A_79 = tpu.vector_load_idx %arg5[%get3A_78] : memref<2485xf32, #tpu.memory_space<vmem>>[vector<16xi32>], vector<16xf32>,
    %get3A_80 = arith.constant 448 : index
    %get3A_81 = tpu.vector_load %arg7[%get3A_80] {strides = array<i32>} : memref<640xi32, #tpu.memory_space<vmem>>, vector<16xi32>,
    %bitcast3A_82 = vector.bitcast %get3A_81 : vector<16xi32> to vector<16xf32>
    %mul3A_83 = arith.mulf %gather3A_79, %bitcast3A_82 : vector<16xf32>
    %swap3A_84 = arith.constant 128 : index
    %swap3A_85 = tpu.vector_load %arg6[%swap3A_84] {strides = array<i32>} : memref<320xf32, #tpu.memory_space<vmem>>, vector<16xf32>,
    tpu.vector_store %arg6[%swap3A_84], %mul3A_83 {strides = array<i32>} : memref<320xf32, #tpu.memory_space<vmem>>, vector<16xf32>,
    %get3A_86 = arith.constant 144 : index
    %get3A_87 = tpu.vector_load %arg7[%get3A_86] {strides = array<i32>} : memref<640xi32, #tpu.memory_space<vmem>>, vector<16xi32>,
    %gather3A_88 = tpu.vector_load_idx %arg5[%get3A_87] : memref<2485xf32, #tpu.memory_space<vmem>>[vector<16xi32>], vector<16xf32>,
    %get3A_89 = arith.constant 464 : index
    %get3A_90 = tpu.vector_load %arg7[%get3A_89] {strides = array<i32>} : memref<640xi32, #tpu.memory_space<vmem>>, vector<16xi32>,
    %bitcast3A_91 = vector.bitcast %get3A_90 : vector<16xi32> to vector<16xf32>
    %mul3A_92 = arith.mulf %gather3A_88, %bitcast3A_91 : vector<16xf32>
    %swap3A_93 = arith.constant 144 : index
    %swap3A_94 = tpu.vector_load %arg6[%swap3A_93] {strides = array<i32>} : memref<320xf32, #tpu.memory_space<vmem>>, vector<16xf32>,
    tpu.vector_store %arg6[%swap3A_93], %mul3A_92 {strides = array<i32>} : memref<320xf32, #tpu.memory_space<vmem>>, vector<16xf32>,
    %get3A_95 = arith.constant 160 : index
    %get3A_96 = tpu.vector_load %arg7[%get3A_95] {strides = array<i32>} : memref<640xi32, #tpu.memory_space<vmem>>, vector<16xi32>,
    %gather3A_97 = tpu.vector_load_idx %arg5[%get3A_96] : memref<2485xf32, #tpu.memory_space<vmem>>[vector<16xi32>], vector<16xf32>,
    %get3A_98 = arith.constant 480 : index
    %get3A_99 = tpu.vector_load %arg7[%get3A_98] {strides = array<i32>} : memref<640xi32, #tpu.memory_space<vmem>>, vector<16xi32>,
    %bitcast3A_100 = vector.bitcast %get3A_99 : vector<16xi32> to vector<16xf32>
    %mul3A_101 = arith.mulf %gather3A_97, %bitcast3A_100 : vector<16xf32>
    %swap3A_102 = arith.constant 160 : index
    %swap3A_103 = tpu.vector_load %arg6[%swap3A_102] {strides = array<i32>} : memref<320xf32, #tpu.memory_space<vmem>>, vector<16xf32>,
    tpu.vector_store %arg6[%swap3A_102], %mul3A_101 {strides = array<i32>} : memref<320xf32, #tpu.memory_space<vmem>>, vector<16xf32>,
    %get3A_104 = arith.constant 176 : index
    %get3A_105 = tpu.vector_load %arg7[%get3A_104] {strides = array<i32>} : memref<640xi32, #tpu.memory_space<vmem>>, vector<16xi32>,
    %gather3A_106 = tpu.vector_load_idx %arg5[%get3A_105] : memref<2485xf32, #tpu.memory_space<vmem>>[vector<16xi32>], vector<16xf32>,
    %get3A_107 = arith.constant 496 : index
    %get3A_108 = tpu.vector_load %arg7[%get3A_107] {strides = array<i32>} : memref<640xi32, #tpu.memory_space<vmem>>, vector<16xi32>,
    %bitcast3A_109 = vector.bitcast %get3A_108 : vector<16xi32> to vector<16xf32>
    %mul3A_110 = arith.mulf %gather3A_106, %bitcast3A_109 : vector<16xf32>
    %swap3A_111 = arith.constant 176 : index
    %swap3A_112 = tpu.vector_load %arg6[%swap3A_111] {strides = array<i32>} : memref<320xf32, #tpu.memory_space<vmem>>, vector<16xf32>,
    tpu.vector_store %arg6[%swap3A_111], %mul3A_110 {strides = array<i32>} : memref<320xf32, #tpu.memory_space<vmem>>, vector<16xf32>,
    %get3A_113 = arith.constant 192 : index
    %get3A_114 = tpu.vector_load %arg7[%get3A_113] {strides = array<i32>} : memref<640xi32, #tpu.memory_space<vmem>>, vector<16xi32>,
    %gather3A_115 = tpu.vector_load_idx %arg5[%get3A_114] : memref<2485xf32, #tpu.memory_space<vmem>>[vector<16xi32>], vector<16xf32>,
    %get3A_116 = arith.constant 512 : index
    %get3A_117 = tpu.vector_load %arg7[%get3A_116] {strides = array<i32>} : memref<640xi32, #tpu.memory_space<vmem>>, vector<16xi32>,
    %bitcast3A_118 = vector.bitcast %get3A_117 : vector<16xi32> to vector<16xf32>
    %mul3A_119 = arith.mulf %gather3A_115, %bitcast3A_118 : vector<16xf32>
    %swap3A_120 = arith.constant 192 : index
    %swap3A_121 = tpu.vector_load %arg6[%swap3A_120] {strides = array<i32>} : memref<320xf32, #tpu.memory_space<vmem>>, vector<16xf32>,
    tpu.vector_store %arg6[%swap3A_120], %mul3A_119 {strides = array<i32>} : memref<320xf32, #tpu.memory_space<vmem>>, vector<16xf32>,
    %get3A_122 = arith.constant 208 : index
    %get3A_123 = tpu.vector_load %arg7[%get3A_122] {strides = array<i32>} : memref<640xi32, #tpu.memory_space<vmem>>, vector<16xi32>,
    %gather3A_124 = tpu.vector_load_idx %arg5[%get3A_123] : memref<2485xf32, #tpu.memory_space<vmem>>[vector<16xi32>], vector<16xf32>,
    %get3A_125 = arith.constant 528 : index
    %get3A_126 = tpu.vector_load %arg7[%get3A_125] {strides = array<i32>} : memref<640xi32, #tpu.memory_space<vmem>>, vector<16xi32>,
    %bitcast3A_127 = vector.bitcast %get3A_126 : vector<16xi32> to vector<16xf32>
    %mul3A_128 = arith.mulf %gather3A_124, %bitcast3A_127 : vector<16xf32>
    %swap3A_129 = arith.constant 208 : index
    %swap3A_130 = tpu.vector_load %arg6[%swap3A_129] {strides = array<i32>} : memref<320xf32, #tpu.memory_space<vmem>>, vector<16xf32>,
    tpu.vector_store %arg6[%swap3A_129], %mul3A_128 {strides = array<i32>} : memref<320xf32, #tpu.memory_space<vmem>>, vector<16xf32>,
    %get3A_131 = arith.constant 224 : index
    %get3A_132 = tpu.vector_load %arg7[%get3A_131] {strides = array<i32>} : memref<640xi32, #tpu.memory_space<vmem>>, vector<16xi32>,
    %gather3A_133 = tpu.vector_load_idx %arg5[%get3A_132] : memref<2485xf32, #tpu.memory_space<vmem>>[vector<16xi32>], vector<16xf32>,
    %get3A_134 = arith.constant 544 : index
    %get3A_135 = tpu.vector_load %arg7[%get3A_134] {strides = array<i32>} : memref<640xi32, #tpu.memory_space<vmem>>, vector<16xi32>,
    %bitcast3A_136 = vector.bitcast %get3A_135 : vector<16xi32> to vector<16xf32>
    %mul3A_137 = arith.mulf %gather3A_133, %bitcast3A_136 : vector<16xf32>
    %swap3A_138 = arith.constant 224 : index
    %swap3A_139 = tpu.vector_load %arg6[%swap3A_138] {strides = array<i32>} : memref<320xf32, #tpu.memory_space<vmem>>, vector<16xf32>,
    tpu.vector_store %arg6[%swap3A_138], %mul3A_137 {strides = array<i32>} : memref<320xf32, #tpu.memory_space<vmem>>, vector<16xf32>,
    %get3A_140 = arith.constant 240 : index
    %get3A_141 = tpu.vector_load %arg7[%get3A_140] {strides = array<i32>} : memref<640xi32, #tpu.memory_space<vmem>>, vector<16xi32>,
    %gather3A_142 = tpu.vector_load_idx %arg5[%get3A_141] : memref<2485xf32, #tpu.memory_space<vmem>>[vector<16xi32>], vector<16xf32>,
    %get3A_143 = arith.constant 560 : index
    %get3A_144 = tpu.vector_load %arg7[%get3A_143] {strides = array<i32>} : memref<640xi32, #tpu.memory_space<vmem>>, vector<16xi32>,
    %bitcast3A_145 = vector.bitcast %get3A_144 : vector<16xi32> to vector<16xf32>
    %mul3A_146 = arith.mulf %gather3A_142, %bitcast3A_145 : vector<16xf32>
    %swap3A_147 = arith.constant 240 : index
    %swap3A_148 = tpu.vector_load %arg6[%swap3A_147] {strides = array<i32>} : memref<320xf32, #tpu.memory_space<vmem>>, vector<16xf32>,
    tpu.vector_store %arg6[%swap3A_147], %mul3A_146 {strides = array<i32>} : memref<320xf32, #tpu.memory_space<vmem>>, vector<16xf32>,
    %get3A_149 = arith.constant 256 : index
    %get3A_150 = tpu.vector_load %arg7[%get3A_149] {strides = array<i32>} : memref<640xi32, #tpu.memory_space<vmem>>, vector<16xi32>,
    %gather3A_151 = tpu.vector_load_idx %arg5[%get3A_150] : memref<2485xf32, #tpu.memory_space<vmem>>[vector<16xi32>], vector<16xf32>,
    %get3A_152 = arith.constant 576 : index
    %get3A_153 = tpu.vector_load %arg7[%get3A_152] {strides = array<i32>} : memref<640xi32, #tpu.memory_space<vmem>>, vector<16xi32>,
    %bitcast3A_154 = vector.bitcast %get3A_153 : vector<16xi32> to vector<16xf32>
    %mul3A_155 = arith.mulf %gather3A_151, %bitcast3A_154 : vector<16xf32>
    %swap3A_156 = arith.constant 256 : index
    %swap3A_157 = tpu.vector_load %arg6[%swap3A_156] {strides = array<i32>} : memref<320xf32, #tpu.memory_space<vmem>>, vector<16xf32>,
    tpu.vector_store %arg6[%swap3A_156], %mul3A_155 {strides = array<i32>} : memref<320xf32, #tpu.memory_space<vmem>>, vector<16xf32>,
    %get3A_158 = arith.constant 272 : index
    %get3A_159 = tpu.vector_load %arg7[%get3A_158] {strides = array<i32>} : memref<640xi32, #tpu.memory_space<vmem>>, vector<16xi32>,
    %gather3A_160 = tpu.vector_load_idx %arg5[%get3A_159] : memref<2485xf32, #tpu.memory_space<vmem>>[vector<16xi32>], vector<16xf32>,
    %get3A_161 = arith.constant 592 : index
    %get3A_162 = tpu.vector_load %arg7[%get3A_161] {strides = array<i32>} : memref<640xi32, #tpu.memory_space<vmem>>, vector<16xi32>,
    %bitcast3A_163 = vector.bitcast %get3A_162 : vector<16xi32> to vector<16xf32>
    %mul3A_164 = arith.mulf %gather3A_160, %bitcast3A_163 : vector<16xf32>
    %swap3A_165 = arith.constant 272 : index
    %swap3A_166 = tpu.vector_load %arg6[%swap3A_165] {strides = array<i32>} : memref<320xf32, #tpu.memory_space<vmem>>, vector<16xf32>,
    tpu.vector_store %arg6[%swap3A_165], %mul3A_164 {strides = array<i32>} : memref<320xf32, #tpu.memory_space<vmem>>, vector<16xf32>,
    %get3A_167 = arith.constant 288 : index
    %get3A_168 = tpu.vector_load %arg7[%get3A_167] {strides = array<i32>} : memref<640xi32, #tpu.memory_space<vmem>>, vector<16xi32>,
    %gather3A_169 = tpu.vector_load_idx %arg5[%get3A_168] : memref<2485xf32, #tpu.memory_space<vmem>>[vector<16xi32>], vector<16xf32>,
    %get3A_170 = arith.constant 608 : index
    %get3A_171 = tpu.vector_load %arg7[%get3A_170] {strides = array<i32>} : memref<640xi32, #tpu.memory_space<vmem>>, vector<16xi32>,
    %bitcast3A_172 = vector.bitcast %get3A_171 : vector<16xi32> to vector<16xf32>
    %mul3A_173 = arith.mulf %gather3A_169, %bitcast3A_172 : vector<16xf32>
    %swap3A_174 = arith.constant 288 : index
    %swap3A_175 = tpu.vector_load %arg6[%swap3A_174] {strides = array<i32>} : memref<320xf32, #tpu.memory_space<vmem>>, vector<16xf32>,
    tpu.vector_store %arg6[%swap3A_174], %mul3A_173 {strides = array<i32>} : memref<320xf32, #tpu.memory_space<vmem>>, vector<16xf32>,
    %get3A_176 = arith.constant 304 : index
    %get3A_177 = tpu.vector_load %arg7[%get3A_176] {strides = array<i32>} : memref<640xi32, #tpu.memory_space<vmem>>, vector<16xi32>,
    %gather3A_178 = tpu.vector_load_idx %arg5[%get3A_177] : memref<2485xf32, #tpu.memory_space<vmem>>[vector<16xi32>], vector<16xf32>,
    %get3A_179 = arith.constant 624 : index
    %get3A_180 = tpu.vector_load %arg7[%get3A_179] {strides = array<i32>} : memref<640xi32, #tpu.memory_space<vmem>>, vector<16xi32>,
    %bitcast3A_181 = vector.bitcast %get3A_180 : vector<16xi32> to vector<16xf32>
    %mul3A_182 = arith.mulf %gather3A_178, %bitcast3A_181 : vector<16xf32>
    %swap3A_183 = arith.constant 304 : index
    %swap3A_184 = tpu.vector_load %arg6[%swap3A_183] {strides = array<i32>} : memref<320xf32, #tpu.memory_space<vmem>>, vector<16xf32>,
    tpu.vector_store %arg6[%swap3A_183], %mul3A_182 {strides = array<i32>} : memref<320xf32, #tpu.memory_space<vmem>>, vector<16xf32>,
    %lt3A = arith.constant 15 : i32
    %lt3A_185 = arith.cmpi slt, %add3A, %lt3A : i32
    %convert_element_type3A = arith.extui %lt3A_185 : i1 to i32
    %cond3A = arith.constant 0 : i32
    %cond3A_186 = arith.cmpi ne, %convert_element_type3A, %cond3A : i32
    scf.if %cond3A_186 {
      "tpu.region"() ({
        %run_scoped3A = tpu.sem_alloc : memref<!tpu.dma_semaphore, #tpu.memory_space<semaphore_mem>>
        %dma_start3A_191 = tpu.memref_slice %arg4[%mul3A_2] : memref<4900xf32, #tpu.memory_space<hbm>> -> memref<320xf32, #tpu.memory_space<hbm>>
        %dma_start3A_192 = tpu.memref_slice %arg4[%mul3A_2] : memref<4900xf32, #tpu.memory_space<hbm>> -> memref<320xf32, #tpu.memory_space<hbm>>
        tpu.enqueue_dma source(%arg6 : memref<320xf32, #tpu.memory_space<vmem>>) target(%dma_start3A_192 : memref<320xf32, #tpu.memory_space<hbm>>) target_semaphore(%run_scoped3A : memref<!tpu.dma_semaphore, #tpu.memory_space<semaphore_mem>>)
        %dma_wait3A_193 = tpu.memref_slice %arg4[%mul3A_2] : memref<4900xf32, #tpu.memory_space<hbm>> -> memref<320xf32, #tpu.memory_space<hbm>>
        %dma_wait3A_194 = tpu.memref_slice %arg4[%mul3A_2] : memref<4900xf32, #tpu.memory_space<hbm>> -> memref<320xf32, #tpu.memory_space<hbm>>
        tpu.wait_dma2 semaphore(%run_scoped3A : memref<!tpu.dma_semaphore, #tpu.memory_space<semaphore_mem>>) src(%arg6 : memref<320xf32, #tpu.memory_space<vmem>>) dst(%dma_wait3A_194 : memref<320xf32, #tpu.memory_space<hbm>>)
        tpu.yield
      }) : () -> ()
    } else {
    }
    %eq3A = arith.constant 15 : i32
    %eq3A_187 = arith.cmpi eq, %add3A, %eq3A : i32
    %convert_element_type3A_188 = arith.extui %eq3A_187 : i1 to i32
    %cond3A_189 = arith.constant 0 : i32
    %cond3A_190 = arith.cmpi ne, %convert_element_type3A_188, %cond3A_189 : i32
    scf.if %cond3A_190 {
      "tpu.region"() ({
        %run_scoped3A = tpu.sem_alloc : memref<!tpu.dma_semaphore, #tpu.memory_space<semaphore_mem>>
        %dma_start3A_191 = arith.constant 0 : i32
        %dma_start3A_192 = tpu.memref_slice %arg6[%dma_start3A_191] : memref<320xf32, #tpu.memory_space<vmem>> -> memref<100xf32, #tpu.memory_space<vmem>>
        %dma_start3A_193 = arith.constant 4800 : i32
        %dma_start3A_194 = tpu.memref_slice %arg4[%dma_start3A_193] : memref<4900xf32, #tpu.memory_space<hbm>> -> memref<100xf32, #tpu.memory_space<hbm>>
        %dma_start3A_195 = arith.constant 4800 : i32
        %dma_start3A_196 = tpu.memref_slice %arg4[%dma_start3A_195] : memref<4900xf32, #tpu.memory_space<hbm>> -> memref<100xf32, #tpu.memory_space<hbm>>
        %dma_start3A_197 = arith.constant 0 : i32
        %dma_start3A_198 = tpu.memref_slice %arg6[%dma_start3A_197] : memref<320xf32, #tpu.memory_space<vmem>> -> memref<100xf32, #tpu.memory_space<vmem>>
        tpu.enqueue_dma source(%dma_start3A_198 : memref<100xf32, #tpu.memory_space<vmem>>) target(%dma_start3A_196 : memref<100xf32, #tpu.memory_space<hbm>>) target_semaphore(%run_scoped3A : memref<!tpu.dma_semaphore, #tpu.memory_space<semaphore_mem>>)
        %dma_wait3A_199 = arith.constant 0 : i32
        %dma_wait3A_200 = tpu.memref_slice %arg6[%dma_wait3A_199] : memref<320xf32, #tpu.memory_space<vmem>> -> memref<100xf32, #tpu.memory_space<vmem>>
        %dma_wait3A_201 = arith.constant 4800 : i32
        %dma_wait3A_202 = tpu.memref_slice %arg4[%dma_wait3A_201] : memref<4900xf32, #tpu.memory_space<hbm>> -> memref<100xf32, #tpu.memory_space<hbm>>
        %dma_wait3A_203 = arith.constant 4800 : i32
        %dma_wait3A_204 = tpu.memref_slice %arg4[%dma_wait3A_203] : memref<4900xf32, #tpu.memory_space<hbm>> -> memref<100xf32, #tpu.memory_space<hbm>>
        %dma_wait3A_205 = arith.constant 0 : i32
        %dma_wait3A_206 = tpu.memref_slice %arg6[%dma_wait3A_205] : memref<320xf32, #tpu.memory_space<vmem>> -> memref<100xf32, #tpu.memory_space<vmem>>
        tpu.wait_dma2 semaphore(%run_scoped3A : memref<!tpu.dma_semaphore, #tpu.memory_space<semaphore_mem>>) src(%dma_wait3A_206 : memref<100xf32, #tpu.memory_space<vmem>>) dst(%dma_wait3A_204 : memref<100xf32, #tpu.memory_space<hbm>>)
        tpu.yield
      }) : () -> ()
    } else {
    }
    return
  }
}

</mosaic_0001>

<sc_bundles>
// kernel: kernel.3.cloned.1.call-start
scs
__scs_entry_jumppad:
0x0: {  	(pc) =	sbr.rel $0x88, $3  }
0x1: {  	(tag) =	ssettag $0x0;
	lr =	simm.s32 $0x1  }
0x2: {  	[smem:$0x3FA0] =	sst lr;
	_ =	strace $0xD0000000  }
0x3: {  	_ = 	snop  }
0x4: {  	_ = 	snop  }
0x5: {  	_ = 	snop  }
0x6: {  	_ = 	snop  }
0x7: {  	_ = 	snop  }
__scs_overlays_trampoline_lowered:
0x8: {  	[smem:$0x3FAF] =	sst s0  }
0x9: {  	[smem:$0x3FB0] =	sst s1  }
0xa: {  	[smem:$0x3FB1] =	sst s2  }
0xb: {  	[smem:$0x3FB2] =	sst s3  }
0xc: {  	[smem:$0x3FB3] =	sst s4  }
0xd: {  	[smem:$0x3FB4] =	sst s5  }
0xe: {  	[smem:$0x3FB5] =	sst s6  }
0xf: {  	[smem:$0x3FB6] =	sst s7  }
0x10: {  	[smem:$0x3FB7] =	sst s8  }
0x11: {  	[smem:$0x3FB8] =	sst s9;
	s0 =	simm.s32 @!p0 $0x0  }
0x12: {  	s1 =	sld [smem:$0x3F9E];
	s0 =	simm.s32 @p0 $0x1  }
0x13: {  	[smem:$0x3FB9] =	sst s0;
	s0 =	simm.s32 @!p1 $0x0  }
0x14: {  	s2 =	sld [smem:$0x3F9D];
	s0 =	simm.s32 @p1 $0x1  }
0x15: {  	[smem:$0x3FBA] =	sst s0;
	s0 =	simm.s32 @!p2 $0x0  }
0x16: {  	s3 =	sld [smem:$0x3FDB];
	s0 =	simm.s32 @p2 $0x1  }
0x17: {  	s4 =	simm.s32 $0x1BF5;
	[smem:$0x3FBC] =	sst s0  }
0x18: {  	s0 =	sld [smem:$0x3F9F];
	_ =	swait.ge [sflag:s4], $0x0  }
0x19: {  	s7 =	sld [smem:$0x3FA0]  }
0x1a: {  	s8 =	sadd.s32 $0xFFFFE003, lr  }
0x1b: {  	s9 =	sadd.s32 $0xFFFFFEF7, lr;
	s5 =	simm.s32 $0xFFFFFFFF;
	p2 =	slt.u32 s8, $0xFFFFF086  }
0x1c: {  	p1 =	slt.u32 s9, $0xF7A;
	s5 =	simm.s32 @!p2 $0x0  }
0x1d: {  	s5 =	simm.s32 @p1 $0x1;
	p0 =	seq.s32 s7, s2  }
0x1e: {  	s7 =	smul.u32 @!p0 $0xF7A, s2;
	p2 =	seq.s32 @!p0 s5, $0x0  }
0x1f: {  	s9 =	smul.u32 $0xF7A, s1;
	s8 =	simm.s32 @!p0 $0x1BF5;
	p2 =	por !p2, p0  }
0x20: {  	[sflag:s8] =	ssyncset.s32 @!p0 $0xFFFFF086;
	s6 =	sadd.s32 @!p0 s3, s7;
	s7 =	simm.s32 @!p0 $0x108  }
0x21: {  	s3 =	sadd.s32 s3, s9;
	s6 =	sadd.s32 @!p0 $0x88, s6;
	s7 =	simm.s32 @p2 $0x1082  }
0x22: {  	[simem:s7], [sflag:s8] =	dma.local @!p0 [hbm:s6], $0xF7A  }
0x23: {  	s9 =	sor.u32 $0xD0000000, s2;
	s6 =	simm.s32 $0x108;
	_ =	swait.ge @!p0 [sflag:s8], $0x0  }
0x24: {  	s3 =	sadd.s32 $0x88, s3;
	s6 =	simm.s32 @!p1 $0x1082;
	[sflag:s4] =	ssyncset.s32 $0xFFFFF086  }
0x25: {  	[simem:s6], [sflag:s4] =	dma.local [hbm:s3], $0xF7A  }
0x26: {  	[smem:$0x3FA0] =	sst s1;
	(tag) =	ssettag s2;
	_ =	strace s9  }
0x27: {  	s1 =	sld [smem:$0x3FB0]  }
0x28: {  	s2 =	sld [smem:$0x3FB1]  }
0x29: {  	s4 =	sld [smem:$0x3FB3]  }
0x2a: {  	p0 =	seq.s32 s5, $0x0;
	s5 =	sld [smem:$0x3FB4]  }
0x2b: {  	s6 =	sld [smem:$0x3FB5]  }
0x2c: {  	s7 =	sld [smem:$0x3FB6]  }
0x2d: {  	s3 =	simm.s32 $0x108;
	s8 =	sld [smem:$0x3FB7]  }
0x2e: {  	s3 =	simm.s32 @!p0 $0x1082;
	s9 =	sld [smem:$0x3FB8]  }
0x2f: {  	lr =	sadd.s32 s0, s3;
	s0 =	sld [smem:$0x3FAF]  }
0x30: {  	s3 =	sld [smem:$0x3FB2]  }
0x31: {  	[smem:$0x3FBB] =	sst s10  }
0x32: {  	s10 =	sld [smem:$0x3FB9];
	_ =	sdelay $0x3  }
0x33: {  	p0 =	seq.s32 s10, $0x1;
	s10 =	sld [smem:$0x3FBB];
	_ =	sdelay $0x3  }
0x34: {  	[smem:$0x3FBB] =	sst s10  }
0x35: {  	s10 =	sld [smem:$0x3FBA];
	_ =	sdelay $0x3  }
0x36: {  	p1 =	seq.s32 s10, $0x1;
	s10 =	sld [smem:$0x3FBB];
	_ =	sdelay $0x3  }
0x37: {  	[smem:$0x3FBB] =	sst s10  }
0x38: {  	s10 =	sld [smem:$0x3FBC]  }
0x39: {  	_ = 	snop;
	(pc) =	sbr.ind lr, $3  }
0x3a: {  	_ = 	snop  }
0x3b: {  	_ = 	snop  }
0x3c: {  	p2 =	seq.s32 s10, $0x1;
	s10 =	sld [smem:$0x3FBB]  }
0x3d: {  	_ =	shalt  }
0x3e: {  	_ =	shalt  }
0x3f: {  	_ =	shalt  }
0x40: {  	_ =	shalt  }
0x41: {  	_ =	shalt  }
0x42: {  	_ =	shalt  }
0x43: {  	_ =	shalt  }
0x44: {  	_ =	shalt  }
0x45: {  	_ =	shalt  }
0x46: {  	_ =	shalt  }
0x47: {  	_ =	shalt  }
0x48: {  	_ =	shalt  }
0x49: {  	_ =	shalt  }
0x4a: {  	_ =	shalt  }
0x4b: {  	_ =	shalt  }
0x4c: {  	_ =	shalt  }
0x4d: {  	_ =	shalt  }
0x4e: {  	_ =	shalt  }
0x4f: {  	_ =	shalt  }
0x50: {  	_ =	shalt  }
0x51: {  	_ =	shalt  }
0x52: {  	_ =	shalt  }
0x53: {  	_ =	shalt  }
0x54: {  	_ =	shalt  }
0x55: {  	_ =	shalt  }
0x56: {  	_ =	shalt  }
0x57: {  	_ =	shalt  }
0x58: {  	_ =	shalt  }
0x59: {  	_ =	shalt  }
0x5a: {  	_ =	shalt  }
0x5b: {  	_ =	shalt  }
0x5c: {  	_ =	shalt  }
0x5d: {  	_ =	shalt  }
0x5e: {  	_ =	shalt  }
0x5f: {  	_ =	shalt  }
0x60: {  	_ =	shalt  }
0x61: {  	_ =	shalt  }
0x62: {  	_ =	shalt  }
0x63: {  	_ =	shalt  }
0x64: {  	_ =	shalt  }
0x65: {  	_ =	shalt  }
0x66: {  	_ =	shalt  }
0x67: {  	_ =	shalt  }
0x68: {  	_ =	shalt  }
0x69: {  	_ =	shalt  }
0x6a: {  	_ =	shalt  }
0x6b: {  	_ =	shalt  }
0x6c: {  	_ =	shalt  }
0x6d: {  	_ =	shalt  }
0x6e: {  	_ =	shalt  }
0x6f: {  	_ =	shalt  }
0x70: {  	_ =	shalt  }
0x71: {  	_ =	shalt  }
0x72: {  	_ =	shalt  }
0x73: {  	_ =	shalt  }
0x74: {  	_ =	shalt  }
0x75: {  	_ =	shalt  }
0x76: {  	_ =	shalt  }
0x77: {  	_ =	shalt  }
0x78: {  	_ =	shalt  }
0x79: {  	_ =	shalt  }
0x7a: {  	_ =	shalt  }
0x7b: {  	_ =	shalt  }
0x7c: {  	_ =	shalt  }
0x7d: {  	_ =	shalt  }
0x7e: {  	_ =	shalt  }
0x7f: {  	_ =	shalt  }
0x80: {  	_ =	shalt  }
0x81: {  	_ =	shalt  }
0x82: {  	_ =	shalt  }
0x83: {  	_ =	shalt  }
0x84: {  	_ =	shalt  }
0x85: {  	_ =	shalt  }
0x86: {  	_ =	shalt  }
0x87: {  	_ =	shalt  }
.Lfunc_end0:
.L_simem_size_0:
called_computation_lowered:
.L_overlay_start_0:
0x88: {  	s0 =	sld [smem:$0x3FD9]  }
0x89: {  	s1 =	sld [smem:$0x3FFE];
	_ =	sdelay $0x3  }
0x8a: {  	s0 =	sadd.s32 s1, s0  }
0x8b: {  	[smem:$0x3FC7] =	sst s0  }
0x8c: {  	_ = 	snop  }
0x8d: {  	s0 =	sld [smem:$0x3FC9];
	(tm) =	ssettm $0x1  }
0x8e: {  	s16 =	sld [smem:$0x3FFB];
	_ =	sdelay $0x3  }
0x8f: {  	_ =	strace s16  }
0x90: {  	s1 =	sld [smem:$0x3FFC];
	_ =	sdelay $0x3  }
0x91: {  	_ =	strace s1  }
0x92: {  	s1 =	sld [smem:$0x3FFD];
	_ =	sdelay $0x3  }
0x93: {  	_ =	strace s1  }
0x94: {  	_ =	strace $0x8FFFFFFF  }
0x95: {  	s17 =	sld [smem:$0x3FDB];
	_ =	sdelay $0x1  }
0x96: {  	s2 =	simm.s32 $_scs_section_size  }
0x97: {  	s3 =	simm.s32 $_size__tile_overlayer_lowered;
	s4 =	simm.s32 $_tile_overlayer_lowered  }
0x98: {  	s20 =	simm.s32 $0x1BFF;
	s19 =	sshll.u32 s4, $0x1;
	s1 =	sadd.s32 s2, s17  }
0x99: {  	s5 =	simm.s32 $0x0;
	s18 =	sshll.u32 s3, $0x1;
	s3 =	sadd.s32 s19, s1  }
0x9a: {  	[timem:s5], [sflag:s20] =	dma.local [hbm:s3], s18  }
0x9b: {  	_ =	swait.ge [sflag:s20], s18  }
0x9c: {  	s2 =	ssub.s32 $0x0, s18;
	[sflag:s20] =	ssyncset.done $0x0  }
0x9d: {  	[sflag:s20] =	ssyncadd.s32 s2;
	_ =	sdelay $0x1  }
0x9e: {  	s21 =	simm.s32 $0x1B8B  }
0x9f: {  	_ =	swait.ge [sflag:s21], $0x1  }
0xa0: {  	[sflag:s21] =	ssyncset.done $0x0  }
0xa1: {  	s23 =	simm.s32 $0x1B8E;
	s22 =	sld [smem:$0x3FFE];
	[sflag:s21] =	ssyncadd.s32 $0xFFFFFFFF  }
0xa2: {  	s24 =	simm.s32 $execute0_lowered;
	[smem:$0x3FD2] =	sst s23  }
0xa3: {  	s3 =	sshll.u32 s24, $0x1;
	_ =	strace $0x80000046;
	[dreg:$0x1] =	wrdreg $0xFFFFFFFF  }
0xa4: {  	s25 =	simm.s32 $_size_execute0_lowered;
	s1 =	sadd.s32 s1, s3;
	[dreg:$0x0] =	wrdreg $0x0  }
0xa5: {  	s3 =	sshll.u32 s25, $0x1;
	[dreg:$0x2] =	wrdreg s1  }
0xa6: {  	[dreg:$0x3] =	wrdreg s3  }
0xa7: {  	[dreg:$0x4] =	wrdreg $0xC0  }
0xa8: {  	_ =	task [dreg:s5], $0x5FFFF  }
0xa9: {  	[dreg:$0x1] =	wrdreg $0xFFFFFFFF  }
0xaa: {  	[dreg:$0x0] =	wrdreg $0x60  }
0xab: {  	[dreg:$0x2] =	wrdreg s0  }
0xac: {  	[dreg:$0x3] =	wrdreg s22  }
0xad: {  	[dreg:$0x4] =	wrdreg $0x9  }
0xae: {  	_ =	task.clear_ibuf [dreg:s5], $0x5FFFF;
	_ =	strace $0x90000046  }
0xaf: {  	s26 =	simm.s32 $0x9;
	_ =	strace $0x80000048  }
0xb0: {  	_ =	swait.ge [sflag:s26], $0x1  }
0xb1: {  	[sflag:s26] =	ssyncadd.s32 $0xFFFFFFFF  }
0xb2: {  	_ =	strace $0x90000048  }
0xb3: {  	_ =	sfence  }
0xb4: {  	s28 =	sld [smem:$0x0];
	_ =	sdelay $0x1  }
0xb5: {  	s29 =	srdreg.scid  }
0xb6: {  	s30 =	sshll.u32 s29, $0xD;
	s31 =	sshrl.u32 s29, $0x2  }
0xb7: {  	s2 =	sand.u32 $0x4000, s30;
	s1 =	sand.u32 $0x1, s29;
	s0 =	sadd.s32 s31, s28  }
0xb8: {  	s1 =	sor.u32 s2, s1;
	s0 =	sshll.u32 s0, $0x11  }
0xb9: {  	s0 =	sor.u32 s0, s1  }
0xba: {  	s0 =	sadd.s32 $0x8F2B, s0  }
0xbb: {  	[sflag:s0] =	ssyncadd.remote.s32 $0x1  }
0xbc: {  	_ =	sfence.sel $0xFFFF  }
0xbd: {  	[dreg:$0x0] =	wrdreg $0xFFFFFFFF;
	(pc) =	sbr.abs _section_cstart, $3  }
0xbe: {  	[dreg:$0x1] =	wrdreg $0xFFFFFFFF  }
0xbf: {  	_ =	task.clear_ibuf [dreg:s5], $0x2FFFF;
	_ =	strace $0x9FFFFFFF  }
0xc0: {  	(tm) =	ssettm $0x7FFFFFFF  }
0xc1: {  	_ =	shalt  }
tec
execute0_lowered:
.L_overlay_start_1:
0x0: {  	(tag) =	ssettag $0x1  }
0x1: {  	s4 =	rddreg [dreg:$0x0];
	s1 =	stileid.u32  }
0x2: {  	s2 =	rddreg [dreg:$0x1];
	s3 =	simm.s32 $0x0;
	s5 =	smul.u32 $0x50, s1  }
0x3: {  	[smem:$0x7FF] =	sst s3  }
0x4: {  	s0 =	rddreg [dreg:$0x2];
	_ =	strace $0x80000047;
	s5 =	sadd.s32 s5, s2  }
0x5: {  	[tilespmem:s3], [sflag:$0x1] =	stream.linear.gather [hbm4b:s4+s3], $0xA00, $0x38;
	[tilespmem:$0xE00] =	vst v63  }
0x6: {  	s29 =	simm.s32 $0xB80;
	s30 =	simm.s32 $0x1;
	s28 =	sadd.s32 $0x400, s5  }
0x7: {  	[tilespmem:s29], [sflag:$0x2] =	stream.linear.gather [hbm4b:s28+s3], $0x280, $0x38;
	[tilespmem:$0xE00] =	vst v63  }
0x8: {  	_ =	swait.ge [sflag:s30], $0xA00  }
0x9: {  	[sflag:s30] =	ssyncset.done $0x0  }
0xa: {  	s31 =	simm.s32 $0x2;
	[sflag:s30] =	ssyncadd.s32 $0xFFFFF600  }
0xb: {  	_ =	swait.ge [sflag:s31], $0x280  }
0xc: {  	[sflag:s31] =	ssyncset.done $0x0  }
0xd: {  	[sflag:s31] =	ssyncadd.s32 $0xFFFFFD80  }
0xe: {  	v0 =	vld [tilespmem:$0xB80];
	_ =	sdelay $0x5  }
0xf: {  	v1 =	vld [tilespmem:$0xCC0]  }
0x10: {  	v2 =	vld [tilespmem:$0xB90]  }
0x11: {  	v0 =	vld.idx.msk [tilespmem:v0+s3+$0x0], $0xffff;
	_ =	sdelay $0x4  }
0x12: {  	v0 =	vmul.f32 v1, v0  }
0x13: {  	v27 =	vld [tilespmem:$0xCD0]  }
0x14: {  	v28 =	vld [tilespmem:$0xBA0];
	[tilespmem:$0xA00] =	vst v0  }
0x15: {  	v0 =	vld.idx.msk [tilespmem:v2+s3+$0x0], $0xffff;
	_ =	sdelay $0x4  }
0x16: {  	v0 =	vmul.f32 v27, v0  }
0x17: {  	v29 =	vld [tilespmem:$0xCE0]  }
0x18: {  	v30 =	vld [tilespmem:$0xBB0];
	[tilespmem:$0xA10] =	vst v0  }
0x19: {  	v0 =	vld.idx.msk [tilespmem:v28+s3+$0x0], $0xffff;
	_ =	sdelay $0x4  }
0x1a: {  	v0 =	vmul.f32 v29, v0  }
0x1b: {  	v31 =	vld [tilespmem:$0xCF0]  }
0x1c: {  	v32 =	vld [tilespmem:$0xBC0];
	[tilespmem:$0xA20] =	vst v0  }
0x1d: {  	v0 =	vld.idx.msk [tilespmem:v30+s3+$0x0], $0xffff;
	_ =	sdelay $0x4  }
0x1e: {  	v0 =	vmul.f32 v31, v0  }
0x1f: {  	v33 =	vld [tilespmem:$0xD00]  }
0x20: {  	v34 =	vld [tilespmem:$0xBD0];
	[tilespmem:$0xA30] =	vst v0  }
0x21: {  	v0 =	vld.idx.msk [tilespmem:v32+s3+$0x0], $0xffff;
	_ =	sdelay $0x4  }
0x22: {  	v0 =	vmul.f32 v33, v0  }
0x23: {  	v35 =	vld [tilespmem:$0xD10]  }
0x24: {  	v36 =	vld [tilespmem:$0xBE0];
	[tilespmem:$0xA40] =	vst v0  }
0x25: {  	v0 =	vld.idx.msk [tilespmem:v34+s3+$0x0], $0xffff;
	_ =	sdelay $0x4  }
0x26: {  	v0 =	vmul.f32 v35, v0  }
0x27: {  	v37 =	vld [tilespmem:$0xD20]  }
0x28: {  	v38 =	vld [tilespmem:$0xBF0];
	[tilespmem:$0xA50] =	vst v0  }
0x29: {  	v0 =	vld.idx.msk [tilespmem:v36+s3+$0x0], $0xffff;
	_ =	sdelay $0x4  }
0x2a: {  	v0 =	vmul.f32 v37, v0  }
0x2b: {  	v39 =	vld [tilespmem:$0xD30]  }
0x2c: {  	v40 =	vld [tilespmem:$0xC00];
	[tilespmem:$0xA60] =	vst v0  }
0x2d: {  	v0 =	vld.idx.msk [tilespmem:v38+s3+$0x0], $0xffff;
	_ =	sdelay $0x4  }
0x2e: {  	v0 =	vmul.f32 v39, v0  }
0x2f: {  	v41 =	vld [tilespmem:$0xD40]  }
0x30: {  	v42 =	vld [tilespmem:$0xC10];
	[tilespmem:$0xA70] =	vst v0  }
0x31: {  	v0 =	vld.idx.msk [tilespmem:v40+s3+$0x0], $0xffff;
	_ =	sdelay $0x4  }
0x32: {  	v0 =	vmul.f32 v41, v0  }
0x33: {  	v43 =	vld [tilespmem:$0xD50]  }
0x34: {  	v44 =	vld [tilespmem:$0xC20];
	[tilespmem:$0xA80] =	vst v0  }
0x35: {  	v0 =	vld.idx.msk [tilespmem:v42+s3+$0x0], $0xffff;
	_ =	sdelay $0x4  }
0x36: {  	v0 =	vmul.f32 v43, v0  }
0x37: {  	v45 =	vld [tilespmem:$0xD60]  }
0x38: {  	v46 =	vld [tilespmem:$0xC30];
	[tilespmem:$0xA90] =	vst v0  }
0x39: {  	v0 =	vld.idx.msk [tilespmem:v44+s3+$0x0], $0xffff;
	_ =	sdelay $0x4  }
0x3a: {  	v0 =	vmul.f32 v45, v0  }
0x3b: {  	v47 =	vld [tilespmem:$0xD70]  }
0x3c: {  	v48 =	vld [tilespmem:$0xC40];
	[tilespmem:$0xAA0] =	vst v0  }
0x3d: {  	v0 =	vld.idx.msk [tilespmem:v46+s3+$0x0], $0xffff;
	_ =	sdelay $0x4  }
0x3e: {  	v0 =	vmul.f32 v47, v0  }
0x3f: {  	v49 =	vld [tilespmem:$0xD80]  }
0x40: {  	v50 =	vld [tilespmem:$0xC50];
	[tilespmem:$0xAB0] =	vst v0  }
0x41: {  	v0 =	vld.idx.msk [tilespmem:v48+s3+$0x0], $0xffff;
	_ =	sdelay $0x4  }
0x42: {  	v0 =	vmul.f32 v49, v0  }
0x43: {  	v51 =	vld [tilespmem:$0xD90]  }
0x44: {  	v52 =	vld [tilespmem:$0xC60];
	[tilespmem:$0xAC0] =	vst v0  }
0x45: {  	v0 =	vld.idx.msk [tilespmem:v50+s3+$0x0], $0xffff;
	_ =	sdelay $0x4  }
0x46: {  	v0 =	vmul.f32 v51, v0  }
0x47: {  	v53 =	vld [tilespmem:$0xDA0]  }
0x48: {  	v54 =	vld [tilespmem:$0xC70];
	[tilespmem:$0xAD0] =	vst v0  }
0x49: {  	v0 =	vld.idx.msk [tilespmem:v52+s3+$0x0], $0xffff;
	_ =	sdelay $0x4  }
0x4a: {  	v0 =	vmul.f32 v53, v0  }
0x4b: {  	v55 =	vld [tilespmem:$0xDB0]  }
0x4c: {  	v56 =	vld [tilespmem:$0xC80];
	[tilespmem:$0xAE0] =	vst v0  }
0x4d: {  	v0 =	vld.idx.msk [tilespmem:v54+s3+$0x0], $0xffff;
	_ =	sdelay $0x4  }
0x4e: {  	v0 =	vmul.f32 v55, v0  }
0x4f: {  	v57 =	vld [tilespmem:$0xDC0]  }
0x50: {  	v58 =	vld [tilespmem:$0xC90];
	[tilespmem:$0xAF0] =	vst v0  }
0x51: {  	v0 =	vld.idx.msk [tilespmem:v56+s3+$0x0], $0xffff;
	_ =	sdelay $0x4  }
0x52: {  	v0 =	vmul.f32 v57, v0  }
0x53: {  	v59 =	vld [tilespmem:$0xDD0]  }
0x54: {  	v60 =	vld [tilespmem:$0xCA0];
	[tilespmem:$0xB00] =	vst v0  }
0x55: {  	v0 =	vld.idx.msk [tilespmem:v58+s3+$0x0], $0xffff;
	_ =	sdelay $0x4  }
0x56: {  	v0 =	vmul.f32 v59, v0  }
0x57: {  	v61 =	vld [tilespmem:$0xDE0]  }
0x58: {  	v62 =	vld [tilespmem:$0xCB0];
	[tilespmem:$0xB10] =	vst v0  }
0x59: {  	v0 =	vld.idx.msk [tilespmem:v60+s3+$0x0], $0xffff;
	_ =	sdelay $0x4  }
0x5a: {  	v0 =	vmul.f32 v61, v0;
	_ =	sdelay $0x1  }
0x5b: {  	v63 =	vld [tilespmem:$0xDF0];
	[tilespmem:$0xB20] =	vst v0  }
0x5c: {  	v0 =	vld.idx.msk [tilespmem:v62+s3+$0x0], $0xffff;
	_ =	sdelay $0x4  }
0x5d: {  	v0 =	vmul.f32 v63, v0  }
0x5e: {  	p0 =	seq.s32 s1, $0xF;
	s2 =	sadd.s32 $0xA00, s2  }
0x5f: {  	s4 =	simm.s32 @p0 $0x0;
	s5 =	simm.s32 @p0 $0xA00;
	s3 =	sadd.s32 @p0 $0x258, s2;
	[tilespmem:$0xB30] =	vst v0  }
0x60: {  	[hbm4b:s3+s4] =	stream.linear.scatter @p0 [tilespmem:s5], [sflag:$0x3], $0x64, $0x38;
	[tilespmem:$0xE00] =	vst v63  }
0x61: {  	s3 =	simm.s32 @p0 $0x3;
	s4 =	smul.u32 @!p0 $0x28, s1  }
0x62: {  	_ =	swait.ge @p0 [sflag:s3], $0x64  }
0x63: {  	[sflag:s3] =	ssyncset.done @p0 $0x0;
	s2 =	sadd.s32 @!p0 s2, s4  }
0x64: {  	s4 =	simm.s32 @!p0 $0xA00;
	[sflag:s3] =	ssyncadd.s32 @p0 $0xFFFFFF9C;
	s3 =	simm.s32 @!p0 $0x0  }
0x65: {  	[hbm4b:s2+s3] =	stream.linear.scatter @!p0 [tilespmem:s4], [sflag:$0x3], $0x140, $0x38;
	[tilespmem:$0xE00] =	vst v63  }
0x66: {  	s2 =	simm.s32 @!p0 $0x3  }
0x67: {  	_ =	swait.ge @!p0 [sflag:s2], $0x140  }
0x68: {  	[sflag:s2] =	ssyncset.done @!p0 $0x0  }
0x69: {  	[sflag:s2] =	ssyncadd.s32 @!p0 $0xFFFFFEC0  }
0x6a: {  	_ =	sfence.sel $0x180000  }
0x6b: {  	[bflag:$0x0] =	sbarrier.arrive $0xFFFF  }
0x6c: {  	p0 =	sne.s32 s1, $0x0;
	_ =	strace $0x90000047  }
0x6d: {  	s0 =	sadd.s32 @!p0 $0x100000, s0;
	[bflag:$0x2] =	sbarrier.arrive $0xFFFF  }
0x6e: {  	[sflag:s0] =	ssyncadd.tile.s32 @!p0 $0x1;
	_ =	shalt  }
.Lfunc_end2:
_tile_overlayer_lowered:
.L_overlay_start_2:
0x6f: {  	(tag) =	ssettag $0x2  }
0x70: {  	s0 =	rddreg [dreg:$0x0];
	s2 =	stileid.u32  }
0x71: {  	s1 =	rddreg [dreg:$0x1];
	p0 =	sne.s32 s2, $0x0  }
0x72: {  	s3 =	rddreg [dreg:$0x2];
	[bflag:$0x3] =	sbarrier.arrive $0xFFFF;
	s2 =	simm.s32 @!p0 $0x1C03  }
0x73: {  	[timem:s3], [sflag:s2] =	dma.local @!p0 [hbm:s0], s1  }
0x74: {  	s0 =	simm.s32 @!p0 $0x3  }
0x75: {  	_ =	swait.ge @!p0 [sflag:s0], s1  }
0x76: {  	s1 =	ssub.s32 @!p0 $0x0, s1;
	[sflag:s0] =	ssyncset.done @!p0 $0x0  }
0x77: {  	[sflag:s0] =	ssyncadd.s32 @!p0 s1  }
0x78: {  	[bflag:$0x3] =	sbarrier.arrive $0xFFFF  }
0x79: {  	_ =	shalt  }

</sc_bundles>
